<compile_context>
chip_gen: v7x
topology: tpu7x:2x2x1
jax: 0.10.2.dev20260603
libtpu: 0.0.44.dev20260713+nightly
codegen_flags: <defaults>
</compile_context>

<pallas_src>
import functools

import jax
import jax.numpy as jnp
from jax import lax
from jax.experimental import pallas as pl
from jax.experimental.pallas import tpu as pltpu
from jax.experimental.pallas import tpu_sc as plsc

_N = 16384
_C = 100
_S = 30.0
_BT = 4096
_NB = _N // _BT

_NCORES = 2
_NSUB = 16
_NW = _NCORES * _NSUB
_PW = _N // _NW
_LANES = 16


def _tc_body(xt_ref, t_ref, ml_ref, out_ref):
    i = pl.program_id(0)
    xt = xt_ref[...]
    t = t_ref[...]
    mlr = ml_ref[...]
    ri = lax.broadcasted_iota(jnp.int32, (_C, _C), 0)
    ci = lax.broadcasted_iota(jnp.int32, (_C, _C), 1)
    ml = jnp.sum(
        jnp.where(ri == ci, jnp.broadcast_to(mlr, (_C, _C)), 0.0),
        axis=1,
        keepdims=True,
    )
    row = lax.broadcasted_iota(jnp.int32, (_C, _BT), 0)
    onehot = row == t
    logits = xt * _S - jnp.where(onehot, ml * _S, 0.0)
    m = jnp.max(logits, axis=0, keepdims=True)
    se = jnp.sum(jnp.exp(logits - m), axis=0, keepdims=True)
    tgt = jnp.sum(jnp.where(onehot, xt * _S, 0.0), axis=0, keepdims=True)
    part = jnp.sum(m + jnp.log(se) - tgt)

    @pl.when(i == 0)
    def _():
        out_ref[0, 0] = 0.0

    out_ref[0, 0] += part


def _tc_call(x, target, m_list):
    out = pl.pallas_call(
        _tc_body,
        grid=(_NB,),
        in_specs=[
            pl.BlockSpec((_C, _BT), lambda i: (0, i)),
            pl.BlockSpec((1, _BT), lambda i: (0, i)),
            pl.BlockSpec((1, _C), lambda i: (0, 0)),
        ],
        out_specs=pl.BlockSpec(memory_space=pltpu.SMEM),
        out_shape=jax.ShapeDtypeStruct((1, 1), jnp.float32),
        compiler_params=pltpu.CompilerParams(
            dimension_semantics=("arbitrary",),
        ),
    )(x.T, target.reshape(1, _N), m_list.reshape(1, _C))
    return out[0, 0]


_ROWS_PW = _PW // 128


def _sc_body(tgt_hbm, ml_hbm, out_hbm, tgt_v, mg_v, acc_v, sem):
    wid = lax.axis_index("s") * _NCORES + lax.axis_index("c")
    pltpu.sync_copy(tgt_hbm.at[pl.ds(wid * _ROWS_PW, _ROWS_PW)], tgt_v)
    copies = [
        pltpu.async_copy(ml_hbm.at[tgt_v.at[j]], mg_v.at[j], sem)
        for j in range(_ROWS_PW)
    ]
    for c in copies:
        c.wait()
    acc = jnp.zeros((_LANES,), jnp.float32)
    for j in range(_ROWS_PW):
        for k in range(128 // _LANES):
            acc = acc + mg_v[j, pl.ds(k * _LANES, _LANES)]
    acc_v[...] = acc
    pltpu.sync_copy(acc_v, out_hbm.at[wid])


@functools.partial(
    pl.kernel,
    mesh=plsc.VectorSubcoreMesh(core_axis_name="c", subcore_axis_name="s"),
    out_type=jax.ShapeDtypeStruct((_NW, _LANES), jnp.float32),
    scratch_types=[
        pltpu.VMEM((_ROWS_PW, 128), jnp.int32),
        pltpu.VMEM((_ROWS_PW, 128), jnp.float32),
        pltpu.VMEM((_LANES,), jnp.float32),
        pltpu.SemaphoreType.DMA,
    ],
)
def _sc_margin_sums(tgt_hbm, ml_hbm, out_hbm, tgt_v, mg_v, acc_v, sem):
    _sc_body(tgt_hbm, ml_hbm, out_hbm, tgt_v, mg_v, acc_v, sem)


def kernel(x, target, m_list):
    msums = _sc_margin_sums(target.reshape(_N // 128, 128), m_list)
    tc_part = _tc_call(x, target, m_list)
    return (tc_part + _S * jnp.sum(msums)) / _N

# --- scband reference (transcript-rebuilt; emitter-appended) ---
"""Pipeline reference for scband-ldamloss-56332791054873 (READ-ONLY COPY).

The authoritative reference and input builder live on the scoring server;
editing this copy changes nothing except your own understanding.
"""

import jax, jax.numpy as jnp
import numpy as np

N = 16384
C = 100
MAX_M = 0.5
S = 30.0

def _make_m_list():
    cls_num_list = (5000 - 50 * np.arange(C)).astype(np.float64)
    m_list = 1.0 / np.sqrt(cls_num_list)
    m_list = m_list * (MAX_M / np.max(m_list))
    return jnp.asarray(m_list, dtype=jnp.float32)

def setup_inputs(seed: int = 0) -> dict:
    key = jax.random.key(seed)
    k1, k2 = jax.random.split(key)
    x = jax.random.normal(k1, (N, C), dtype=jnp.float32)
    target = jax.random.randint(k2, (N,), 0, C, dtype=jnp.int32)
    m_list = _make_m_list()
    return {"x": x, "target": target, "m_list": m_list}

def reference(x, target, m_list):
    # m = m_list[target]  (gather)
    m = jnp.take(m_list, target, axis=0)
    # boolean one-hot mask via scatter semantics
    index = jax.nn.one_hot(target, C, dtype=jnp.bool_)
    x_m = x - m[:, None]
    x_adjusted = jnp.where(index, x_m, x)
    logits = x_adjusted * S
    # cross_entropy with mean reduction
    logZ = jax.scipy.special.logsumexp(logits, axis=1)
    tgt_logit = jnp.take_along_axis(logits, target[:, None].astype(jnp.int32), axis=1)[:, 0]
    loss = jnp.mean(logZ - tgt_logit)
    return loss

if __name__ == "__main__":
    import jax
    _d = setup_inputs()
    print(jax.jit(kernel)(*tuple(_d.values())))

</pallas_src>

<mosaic_0001>
#map = affine_map<(d0, d1) -> (0, 0)>
#map1 = affine_map<(d0, d1) -> (0)>
module attributes {stable_mosaic.version = 14 : i64} {
  func.func @_sc_margin_sums(%arg0: i32, %arg1: i32, %arg2: memref<128x128xi32, #tpu.memory_space<hbm>>, %arg3: memref<100xf32, #tpu.memory_space<hbm>>, %arg4: memref<32x16xf32, #tpu.memory_space<hbm>>, %arg5: memref<4x128xi32, #tpu.memory_space<vmem>>, %arg6: memref<4x128xf32, #tpu.memory_space<vmem>>, %arg7: memref<16xf32, #tpu.memory_space<vmem>>, %arg8: memref<!tpu.dma_semaphore, #tpu.memory_space<semaphore_mem>>) attributes {dimension_semantics = [#tpu.dimension_semantics<core_parallel>, #tpu.dimension_semantics<subcore_parallel>], iteration_bounds = array<i64: 2, 16>, scalar_prefetch = 0 : i64, scratch_operands = 4 : i64, tpu.core_type = #tpu.core_type<sc_vector_subcore>, window_params = [{transform_indices = #map}, {transform_indices = #map1}, {transform_indices = #map}]} {
    %mul3A = arith.constant 2 : i32
    %mul3A_0 = arith.muli %arg1, %mul3A : i32
    %add3A = arith.addi %mul3A_0, %arg0 : i32
    %mul3A_1 = arith.constant 4 : i32
    %mul3A_2 = arith.muli %add3A, %mul3A_1 : i32
    "tpu.region"() ({
      %run_scoped3A = tpu.sem_alloc : memref<!tpu.dma_semaphore, #tpu.memory_space<semaphore_mem>>
      %dma_start3A_276 = arith.constant 0 : i32
      %dma_start3A_277 = tpu.memref_slice %arg2[%mul3A_2, %dma_start3A_276] : memref<128x128xi32, #tpu.memory_space<hbm>> -> memref<4x128xi32, #tpu.memory_space<hbm>>
      %dma_start3A_278 = arith.constant 0 : i32
      %dma_start3A_279 = tpu.memref_slice %arg2[%mul3A_2, %dma_start3A_278] : memref<128x128xi32, #tpu.memory_space<hbm>> -> memref<4x128xi32, #tpu.memory_space<hbm>>
      tpu.enqueue_dma source(%dma_start3A_279 : memref<4x128xi32, #tpu.memory_space<hbm>>) target(%arg5 : memref<4x128xi32, #tpu.memory_space<vmem>>) target_semaphore(%run_scoped3A : memref<!tpu.dma_semaphore, #tpu.memory_space<semaphore_mem>>)
      %dma_wait3A_280 = arith.constant 0 : i32
      %dma_wait3A_281 = tpu.memref_slice %arg2[%mul3A_2, %dma_wait3A_280] : memref<128x128xi32, #tpu.memory_space<hbm>> -> memref<4x128xi32, #tpu.memory_space<hbm>>
      %dma_wait3A_282 = arith.constant 0 : i32
      %dma_wait3A_283 = tpu.memref_slice %arg2[%mul3A_2, %dma_wait3A_282] : memref<128x128xi32, #tpu.memory_space<hbm>> -> memref<4x128xi32, #tpu.memory_space<hbm>>
      tpu.wait_dma2 semaphore(%run_scoped3A : memref<!tpu.dma_semaphore, #tpu.memory_space<semaphore_mem>>) src(%dma_wait3A_283 : memref<4x128xi32, #tpu.memory_space<hbm>>) dst(%arg5 : memref<4x128xi32, #tpu.memory_space<vmem>>)
      tpu.yield
    }) : () -> ()
    %dma_start3A = arith.constant 0 : i32
    %dma_start3A_3 = arith.constant 0 : i32
    %dma_start3A_4 = arith.constant 0 : i32
    %dma_start3A_5 = tpu.memref_slice %arg6[%dma_start3A_3, %dma_start3A_4] : memref<4x128xf32, #tpu.memory_space<vmem>> -> memref<1x128xf32, #tpu.memory_space<vmem>>
    %dma_start3A_6 = tpu.memref_squeeze %dma_start3A_5 : memref<1x128xf32, #tpu.memory_space<vmem>> -> memref<128xf32, #tpu.memory_space<vmem>>
    %dma_start3A_7 = arith.constant 0 : i32
    %dma_start3A_8 = tpu.memref_slice %arg5[%dma_start3A, %dma_start3A_7] : memref<4x128xi32, #tpu.memory_space<vmem>> -> memref<1x128xi32, #tpu.memory_space<vmem>>
    %dma_start3A_9 = tpu.memref_squeeze %dma_start3A_8 : memref<1x128xi32, #tpu.memory_space<vmem>> -> memref<128xi32, #tpu.memory_space<vmem>>
    %dma_start3A_10 = arith.constant 0 : i32
    %dma_start3A_11 = tpu.memref_slice %arg3[%dma_start3A_10] : memref<100xf32, #tpu.memory_space<hbm>> -> memref<100xf32, #tpu.memory_space<hbm>>
    tpu.enqueue_indirect_dma source(%dma_start3A_11 : memref<100xf32, #tpu.memory_space<hbm>>) target(%dma_start3A_6 : memref<128xf32, #tpu.memory_space<vmem>>) offsets(%dma_start3A_9 : memref<128xi32, #tpu.memory_space<vmem>>) semaphore(%arg8 : memref<!tpu.dma_semaphore, #tpu.memory_space<semaphore_mem>>)
    %dma_start3A_12 = arith.constant 1 : i32
    %dma_start3A_13 = arith.constant 1 : i32
    %dma_start3A_14 = arith.constant 0 : i32
    %dma_start3A_15 = tpu.memref_slice %arg6[%dma_start3A_13, %dma_start3A_14] : memref<4x128xf32, #tpu.memory_space<vmem>> -> memref<1x128xf32, #tpu.memory_space<vmem>>
    %dma_start3A_16 = tpu.memref_squeeze %dma_start3A_15 : memref<1x128xf32, #tpu.memory_space<vmem>> -> memref<128xf32, #tpu.memory_space<vmem>>
    %dma_start3A_17 = arith.constant 0 : i32
    %dma_start3A_18 = tpu.memref_slice %arg5[%dma_start3A_12, %dma_start3A_17] : memref<4x128xi32, #tpu.memory_space<vmem>> -> memref<1x128xi32, #tpu.memory_space<vmem>>
    %dma_start3A_19 = tpu.memref_squeeze %dma_start3A_18 : memref<1x128xi32, #tpu.memory_space<vmem>> -> memref<128xi32, #tpu.memory_space<vmem>>
    %dma_start3A_20 = arith.constant 0 : i32
    %dma_start3A_21 = tpu.memref_slice %arg3[%dma_start3A_20] : memref<100xf32, #tpu.memory_space<hbm>> -> memref<100xf32, #tpu.memory_space<hbm>>
    tpu.enqueue_indirect_dma source(%dma_start3A_21 : memref<100xf32, #tpu.memory_space<hbm>>) target(%dma_start3A_16 : memref<128xf32, #tpu.memory_space<vmem>>) offsets(%dma_start3A_19 : memref<128xi32, #tpu.memory_space<vmem>>) semaphore(%arg8 : memref<!tpu.dma_semaphore, #tpu.memory_space<semaphore_mem>>)
    %dma_start3A_22 = arith.constant 2 : i32
    %dma_start3A_23 = arith.constant 2 : i32
    %dma_start3A_24 = arith.constant 0 : i32
    %dma_start3A_25 = tpu.memref_slice %arg6[%dma_start3A_23, %dma_start3A_24] : memref<4x128xf32, #tpu.memory_space<vmem>> -> memref<1x128xf32, #tpu.memory_space<vmem>>
    %dma_start3A_26 = tpu.memref_squeeze %dma_start3A_25 : memref<1x128xf32, #tpu.memory_space<vmem>> -> memref<128xf32, #tpu.memory_space<vmem>>
    %dma_start3A_27 = arith.constant 0 : i32
    %dma_start3A_28 = tpu.memref_slice %arg5[%dma_start3A_22, %dma_start3A_27] : memref<4x128xi32, #tpu.memory_space<vmem>> -> memref<1x128xi32, #tpu.memory_space<vmem>>
    %dma_start3A_29 = tpu.memref_squeeze %dma_start3A_28 : memref<1x128xi32, #tpu.memory_space<vmem>> -> memref<128xi32, #tpu.memory_space<vmem>>
    %dma_start3A_30 = arith.constant 0 : i32
    %dma_start3A_31 = tpu.memref_slice %arg3[%dma_start3A_30] : memref<100xf32, #tpu.memory_space<hbm>> -> memref<100xf32, #tpu.memory_space<hbm>>
    tpu.enqueue_indirect_dma source(%dma_start3A_31 : memref<100xf32, #tpu.memory_space<hbm>>) target(%dma_start3A_26 : memref<128xf32, #tpu.memory_space<vmem>>) offsets(%dma_start3A_29 : memref<128xi32, #tpu.memory_space<vmem>>) semaphore(%arg8 : memref<!tpu.dma_semaphore, #tpu.memory_space<semaphore_mem>>)
    %dma_start3A_32 = arith.constant 3 : i32
    %dma_start3A_33 = arith.constant 3 : i32
    %dma_start3A_34 = arith.constant 0 : i32
    %dma_start3A_35 = tpu.memref_slice %arg6[%dma_start3A_33, %dma_start3A_34] : memref<4x128xf32, #tpu.memory_space<vmem>> -> memref<1x128xf32, #tpu.memory_space<vmem>>
    %dma_start3A_36 = tpu.memref_squeeze %dma_start3A_35 : memref<1x128xf32, #tpu.memory_space<vmem>> -> memref<128xf32, #tpu.memory_space<vmem>>
    %dma_start3A_37 = arith.constant 0 : i32
    %dma_start3A_38 = tpu.memref_slice %arg5[%dma_start3A_32, %dma_start3A_37] : memref<4x128xi32, #tpu.memory_space<vmem>> -> memref<1x128xi32, #tpu.memory_space<vmem>>
    %dma_start3A_39 = tpu.memref_squeeze %dma_start3A_38 : memref<1x128xi32, #tpu.memory_space<vmem>> -> memref<128xi32, #tpu.memory_space<vmem>>
    %dma_start3A_40 = arith.constant 0 : i32
    %dma_start3A_41 = tpu.memref_slice %arg3[%dma_start3A_40] : memref<100xf32, #tpu.memory_space<hbm>> -> memref<100xf32, #tpu.memory_space<hbm>>
    tpu.enqueue_indirect_dma source(%dma_start3A_41 : memref<100xf32, #tpu.memory_space<hbm>>) target(%dma_start3A_36 : memref<128xf32, #tpu.memory_space<vmem>>) offsets(%dma_start3A_39 : memref<128xi32, #tpu.memory_space<vmem>>) semaphore(%arg8 : memref<!tpu.dma_semaphore, #tpu.memory_space<semaphore_mem>>)
    %dma_wait3A = arith.constant 0 : i32
    %dma_wait3A_42 = arith.constant 0 : i32
    %dma_wait3A_43 = arith.constant 0 : i32
    %dma_wait3A_44 = tpu.memref_slice %arg6[%dma_wait3A_42, %dma_wait3A_43] : memref<4x128xf32, #tpu.memory_space<vmem>> -> memref<1x128xf32, #tpu.memory_space<vmem>>
    %dma_wait3A_45 = tpu.memref_squeeze %dma_wait3A_44 : memref<1x128xf32, #tpu.memory_space<vmem>> -> memref<128xf32, #tpu.memory_space<vmem>>
    %dma_wait3A_46 = arith.constant 0 : i32
    %dma_wait3A_47 = tpu.memref_slice %arg5[%dma_wait3A, %dma_wait3A_46] : memref<4x128xi32, #tpu.memory_space<vmem>> -> memref<1x128xi32, #tpu.memory_space<vmem>>
    %dma_wait3A_48 = tpu.memref_squeeze %dma_wait3A_47 : memref<1x128xi32, #tpu.memory_space<vmem>> -> memref<128xi32, #tpu.memory_space<vmem>>
    %dma_wait3A_49 = arith.constant 0 : i32
    %dma_wait3A_50 = tpu.memref_slice %arg3[%dma_wait3A_49] : memref<100xf32, #tpu.memory_space<hbm>> -> memref<100xf32, #tpu.memory_space<hbm>>
    tpu.wait_indirect_dma semaphore(%arg8 : memref<!tpu.dma_semaphore, #tpu.memory_space<semaphore_mem>>) src(%dma_wait3A_50 : memref<100xf32, #tpu.memory_space<hbm>>) dst(%dma_wait3A_45 : memref<128xf32, #tpu.memory_space<vmem>>)
    %dma_wait3A_51 = arith.constant 1 : i32
    %dma_wait3A_52 = arith.constant 1 : i32
    %dma_wait3A_53 = arith.constant 0 : i32
    %dma_wait3A_54 = tpu.memref_slice %arg6[%dma_wait3A_52, %dma_wait3A_53] : memref<4x128xf32, #tpu.memory_space<vmem>> -> memref<1x128xf32, #tpu.memory_space<vmem>>
    %dma_wait3A_55 = tpu.memref_squeeze %dma_wait3A_54 : memref<1x128xf32, #tpu.memory_space<vmem>> -> memref<128xf32, #tpu.memory_space<vmem>>
    %dma_wait3A_56 = arith.constant 0 : i32
    %dma_wait3A_57 = tpu.memref_slice %arg5[%dma_wait3A_51, %dma_wait3A_56] : memref<4x128xi32, #tpu.memory_space<vmem>> -> memref<1x128xi32, #tpu.memory_space<vmem>>
    %dma_wait3A_58 = tpu.memref_squeeze %dma_wait3A_57 : memref<1x128xi32, #tpu.memory_space<vmem>> -> memref<128xi32, #tpu.memory_space<vmem>>
    %dma_wait3A_59 = arith.constant 0 : i32
    %dma_wait3A_60 = tpu.memref_slice %arg3[%dma_wait3A_59] : memref<100xf32, #tpu.memory_space<hbm>> -> memref<100xf32, #tpu.memory_space<hbm>>
    tpu.wait_indirect_dma semaphore(%arg8 : memref<!tpu.dma_semaphore, #tpu.memory_space<semaphore_mem>>) src(%dma_wait3A_60 : memref<100xf32, #tpu.memory_space<hbm>>) dst(%dma_wait3A_55 : memref<128xf32, #tpu.memory_space<vmem>>)
    %dma_wait3A_61 = arith.constant 2 : i32
    %dma_wait3A_62 = arith.constant 2 : i32
    %dma_wait3A_63 = arith.constant 0 : i32
    %dma_wait3A_64 = tpu.memref_slice %arg6[%dma_wait3A_62, %dma_wait3A_63] : memref<4x128xf32, #tpu.memory_space<vmem>> -> memref<1x128xf32, #tpu.memory_space<vmem>>
    %dma_wait3A_65 = tpu.memref_squeeze %dma_wait3A_64 : memref<1x128xf32, #tpu.memory_space<vmem>> -> memref<128xf32, #tpu.memory_space<vmem>>
    %dma_wait3A_66 = arith.constant 0 : i32
    %dma_wait3A_67 = tpu.memref_slice %arg5[%dma_wait3A_61, %dma_wait3A_66] : memref<4x128xi32, #tpu.memory_space<vmem>> -> memref<1x128xi32, #tpu.memory_space<vmem>>
    %dma_wait3A_68 = tpu.memref_squeeze %dma_wait3A_67 : memref<1x128xi32, #tpu.memory_space<vmem>> -> memref<128xi32, #tpu.memory_space<vmem>>
    %dma_wait3A_69 = arith.constant 0 : i32
    %dma_wait3A_70 = tpu.memref_slice %arg3[%dma_wait3A_69] : memref<100xf32, #tpu.memory_space<hbm>> -> memref<100xf32, #tpu.memory_space<hbm>>
    tpu.wait_indirect_dma semaphore(%arg8 : memref<!tpu.dma_semaphore, #tpu.memory_space<semaphore_mem>>) src(%dma_wait3A_70 : memref<100xf32, #tpu.memory_space<hbm>>) dst(%dma_wait3A_65 : memref<128xf32, #tpu.memory_space<vmem>>)
    %dma_wait3A_71 = arith.constant 3 : i32
    %dma_wait3A_72 = arith.constant 3 : i32
    %dma_wait3A_73 = arith.constant 0 : i32
    %dma_wait3A_74 = tpu.memref_slice %arg6[%dma_wait3A_72, %dma_wait3A_73] : memref<4x128xf32, #tpu.memory_space<vmem>> -> memref<1x128xf32, #tpu.memory_space<vmem>>
    %dma_wait3A_75 = tpu.memref_squeeze %dma_wait3A_74 : memref<1x128xf32, #tpu.memory_space<vmem>> -> memref<128xf32, #tpu.memory_space<vmem>>
    %dma_wait3A_76 = arith.constant 0 : i32
    %dma_wait3A_77 = tpu.memref_slice %arg5[%dma_wait3A_71, %dma_wait3A_76] : memref<4x128xi32, #tpu.memory_space<vmem>> -> memref<1x128xi32, #tpu.memory_space<vmem>>
    %dma_wait3A_78 = tpu.memref_squeeze %dma_wait3A_77 : memref<1x128xi32, #tpu.memory_space<vmem>> -> memref<128xi32, #tpu.memory_space<vmem>>
    %dma_wait3A_79 = arith.constant 0 : i32
    %dma_wait3A_80 = tpu.memref_slice %arg3[%dma_wait3A_79] : memref<100xf32, #tpu.memory_space<hbm>> -> memref<100xf32, #tpu.memory_space<hbm>>
    tpu.wait_indirect_dma semaphore(%arg8 : memref<!tpu.dma_semaphore, #tpu.memory_space<semaphore_mem>>) src(%dma_wait3A_80 : memref<100xf32, #tpu.memory_space<hbm>>) dst(%dma_wait3A_75 : memref<128xf32, #tpu.memory_space<vmem>>)
    %broadcast_in_dim3A = arith.constant 0.000000e+00 : f32
    %broadcast_in_dim3A_81 = vector.broadcast %broadcast_in_dim3A : f32 to vector<16xf32>
    %get3A = arith.constant 0 : i32
    %get3A_82 = arith.index_cast %get3A : i32 to index
    %get3A_83 = arith.constant 0 : index
    %get3A_84 = tpu.vector_load %arg6[%get3A_82, %get3A_83] {strides = array<i32>} : memref<4x128xf32, #tpu.memory_space<vmem>>, vector<1x16xf32>,
    %get3A_85 = vector.shape_cast %get3A_84 : vector<1x16xf32> to vector<16xf32>
    %add3A_86 = arith.addf %broadcast_in_dim3A_81, %get3A_85 : vector<16xf32>
    %get3A_87 = arith.constant 0 : i32
    %get3A_88 = arith.index_cast %get3A_87 : i32 to index
    %get3A_89 = arith.constant 16 : index
    %get3A_90 = tpu.vector_load %arg6[%get3A_88, %get3A_89] {strides = array<i32>} : memref<4x128xf32, #tpu.memory_space<vmem>>, vector<1x16xf32>,
    %get3A_91 = vector.shape_cast %get3A_90 : vector<1x16xf32> to vector<16xf32>
    %add3A_92 = arith.addf %add3A_86, %get3A_91 : vector<16xf32>
    %get3A_93 = arith.constant 0 : i32
    %get3A_94 = arith.index_cast %get3A_93 : i32 to index
    %get3A_95 = arith.constant 32 : index
    %get3A_96 = tpu.vector_load %arg6[%get3A_94, %get3A_95] {strides = array<i32>} : memref<4x128xf32, #tpu.memory_space<vmem>>, vector<1x16xf32>,
    %get3A_97 = vector.shape_cast %get3A_96 : vector<1x16xf32> to vector<16xf32>
    %add3A_98 = arith.addf %add3A_92, %get3A_97 : vector<16xf32>
    %get3A_99 = arith.constant 0 : i32
    %get3A_100 = arith.index_cast %get3A_99 : i32 to index
    %get3A_101 = arith.constant 48 : index
    %get3A_102 = tpu.vector_load %arg6[%get3A_100, %get3A_101] {strides = array<i32>} : memref<4x128xf32, #tpu.memory_space<vmem>>, vector<1x16xf32>,
    %get3A_103 = vector.shape_cast %get3A_102 : vector<1x16xf32> to vector<16xf32>
    %add3A_104 = arith.addf %add3A_98, %get3A_103 : vector<16xf32>
    %get3A_105 = arith.constant 0 : i32
    %get3A_106 = arith.index_cast %get3A_105 : i32 to index
    %get3A_107 = arith.constant 64 : index
    %get3A_108 = tpu.vector_load %arg6[%get3A_106, %get3A_107] {strides = array<i32>} : memref<4x128xf32, #tpu.memory_space<vmem>>, vector<1x16xf32>,
    %get3A_109 = vector.shape_cast %get3A_108 : vector<1x16xf32> to vector<16xf32>
    %add3A_110 = arith.addf %add3A_104, %get3A_109 : vector<16xf32>
    %get3A_111 = arith.constant 0 : i32
    %get3A_112 = arith.index_cast %get3A_111 : i32 to index
    %get3A_113 = arith.constant 80 : index
    %get3A_114 = tpu.vector_load %arg6[%get3A_112, %get3A_113] {strides = array<i32>} : memref<4x128xf32, #tpu.memory_space<vmem>>, vector<1x16xf32>,
    %get3A_115 = vector.shape_cast %get3A_114 : vector<1x16xf32> to vector<16xf32>
    %add3A_116 = arith.addf %add3A_110, %get3A_115 : vector<16xf32>
    %get3A_117 = arith.constant 0 : i32
    %get3A_118 = arith.index_cast %get3A_117 : i32 to index
    %get3A_119 = arith.constant 96 : index
    %get3A_120 = tpu.vector_load %arg6[%get3A_118, %get3A_119] {strides = array<i32>} : memref<4x128xf32, #tpu.memory_space<vmem>>, vector<1x16xf32>,
    %get3A_121 = vector.shape_cast %get3A_120 : vector<1x16xf32> to vector<16xf32>
    %add3A_122 = arith.addf %add3A_116, %get3A_121 : vector<16xf32>
    %get3A_123 = arith.constant 0 : i32
    %get3A_124 = arith.index_cast %get3A_123 : i32 to index
    %get3A_125 = arith.constant 112 : index
    %get3A_126 = tpu.vector_load %arg6[%get3A_124, %get3A_125] {strides = array<i32>} : memref<4x128xf32, #tpu.memory_space<vmem>>, vector<1x16xf32>,
    %get3A_127 = vector.shape_cast %get3A_126 : vector<1x16xf32> to vector<16xf32>
    %add3A_128 = arith.addf %add3A_122, %get3A_127 : vector<16xf32>
    %get3A_129 = arith.constant 1 : i32
    %get3A_130 = arith.index_cast %get3A_129 : i32 to index
    %get3A_131 = arith.constant 0 : index
    %get3A_132 = tpu.vector_load %arg6[%get3A_130, %get3A_131] {strides = array<i32>} : memref<4x128xf32, #tpu.memory_space<vmem>>, vector<1x16xf32>,
    %get3A_133 = vector.shape_cast %get3A_132 : vector<1x16xf32> to vector<16xf32>
    %add3A_134 = arith.addf %add3A_128, %get3A_133 : vector<16xf32>
    %get3A_135 = arith.constant 1 : i32
    %get3A_136 = arith.index_cast %get3A_135 : i32 to index
    %get3A_137 = arith.constant 16 : index
    %get3A_138 = tpu.vector_load %arg6[%get3A_136, %get3A_137] {strides = array<i32>} : memref<4x128xf32, #tpu.memory_space<vmem>>, vector<1x16xf32>,
    %get3A_139 = vector.shape_cast %get3A_138 : vector<1x16xf32> to vector<16xf32>
    %add3A_140 = arith.addf %add3A_134, %get3A_139 : vector<16xf32>
    %get3A_141 = arith.constant 1 : i32
    %get3A_142 = arith.index_cast %get3A_141 : i32 to index
    %get3A_143 = arith.constant 32 : index
    %get3A_144 = tpu.vector_load %arg6[%get3A_142, %get3A_143] {strides = array<i32>} : memref<4x128xf32, #tpu.memory_space<vmem>>, vector<1x16xf32>,
    %get3A_145 = vector.shape_cast %get3A_144 : vector<1x16xf32> to vector<16xf32>
    %add3A_146 = arith.addf %add3A_140, %get3A_145 : vector<16xf32>
    %get3A_147 = arith.constant 1 : i32
    %get3A_148 = arith.index_cast %get3A_147 : i32 to index
    %get3A_149 = arith.constant 48 : index
    %get3A_150 = tpu.vector_load %arg6[%get3A_148, %get3A_149] {strides = array<i32>} : memref<4x128xf32, #tpu.memory_space<vmem>>, vector<1x16xf32>,
    %get3A_151 = vector.shape_cast %get3A_150 : vector<1x16xf32> to vector<16xf32>
    %add3A_152 = arith.addf %add3A_146, %get3A_151 : vector<16xf32>
    %get3A_153 = arith.constant 1 : i32
    %get3A_154 = arith.index_cast %get3A_153 : i32 to index
    %get3A_155 = arith.constant 64 : index
    %get3A_156 = tpu.vector_load %arg6[%get3A_154, %get3A_155] {strides = array<i32>} : memref<4x128xf32, #tpu.memory_space<vmem>>, vector<1x16xf32>,
    %get3A_157 = vector.shape_cast %get3A_156 : vector<1x16xf32> to vector<16xf32>
    %add3A_158 = arith.addf %add3A_152, %get3A_157 : vector<16xf32>
    %get3A_159 = arith.constant 1 : i32
    %get3A_160 = arith.index_cast %get3A_159 : i32 to index
    %get3A_161 = arith.constant 80 : index
    %get3A_162 = tpu.vector_load %arg6[%get3A_160, %get3A_161] {strides = array<i32>} : memref<4x128xf32, #tpu.memory_space<vmem>>, vector<1x16xf32>,
    %get3A_163 = vector.shape_cast %get3A_162 : vector<1x16xf32> to vector<16xf32>
    %add3A_164 = arith.addf %add3A_158, %get3A_163 : vector<16xf32>
    %get3A_165 = arith.constant 1 : i32
    %get3A_166 = arith.index_cast %get3A_165 : i32 to index
    %get3A_167 = arith.constant 96 : index
    %get3A_168 = tpu.vector_load %arg6[%get3A_166, %get3A_167] {strides = array<i32>} : memref<4x128xf32, #tpu.memory_space<vmem>>, vector<1x16xf32>,
    %get3A_169 = vector.shape_cast %get3A_168 : vector<1x16xf32> to vector<16xf32>
    %add3A_170 = arith.addf %add3A_164, %get3A_169 : vector<16xf32>
    %get3A_171 = arith.constant 1 : i32
    %get3A_172 = arith.index_cast %get3A_171 : i32 to index
    %get3A_173 = arith.constant 112 : index
    %get3A_174 = tpu.vector_load %arg6[%get3A_172, %get3A_173] {strides = array<i32>} : memref<4x128xf32, #tpu.memory_space<vmem>>, vector<1x16xf32>,
    %get3A_175 = vector.shape_cast %get3A_174 : vector<1x16xf32> to vector<16xf32>
    %add3A_176 = arith.addf %add3A_170, %get3A_175 : vector<16xf32>
    %get3A_177 = arith.constant 2 : i32
    %get3A_178 = arith.index_cast %get3A_177 : i32 to index
    %get3A_179 = arith.constant 0 : index
    %get3A_180 = tpu.vector_load %arg6[%get3A_178, %get3A_179] {strides = array<i32>} : memref<4x128xf32, #tpu.memory_space<vmem>>, vector<1x16xf32>,
    %get3A_181 = vector.shape_cast %get3A_180 : vector<1x16xf32> to vector<16xf32>
    %add3A_182 = arith.addf %add3A_176, %get3A_181 : vector<16xf32>
    %get3A_183 = arith.constant 2 : i32
    %get3A_184 = arith.index_cast %get3A_183 : i32 to index
    %get3A_185 = arith.constant 16 : index
    %get3A_186 = tpu.vector_load %arg6[%get3A_184, %get3A_185] {strides = array<i32>} : memref<4x128xf32, #tpu.memory_space<vmem>>, vector<1x16xf32>,
    %get3A_187 = vector.shape_cast %get3A_186 : vector<1x16xf32> to vector<16xf32>
    %add3A_188 = arith.addf %add3A_182, %get3A_187 : vector<16xf32>
    %get3A_189 = arith.constant 2 : i32
    %get3A_190 = arith.index_cast %get3A_189 : i32 to index
    %get3A_191 = arith.constant 32 : index
    %get3A_192 = tpu.vector_load %arg6[%get3A_190, %get3A_191] {strides = array<i32>} : memref<4x128xf32, #tpu.memory_space<vmem>>, vector<1x16xf32>,
    %get3A_193 = vector.shape_cast %get3A_192 : vector<1x16xf32> to vector<16xf32>
    %add3A_194 = arith.addf %add3A_188, %get3A_193 : vector<16xf32>
    %get3A_195 = arith.constant 2 : i32
    %get3A_196 = arith.index_cast %get3A_195 : i32 to index
    %get3A_197 = arith.constant 48 : index
    %get3A_198 = tpu.vector_load %arg6[%get3A_196, %get3A_197] {strides = array<i32>} : memref<4x128xf32, #tpu.memory_space<vmem>>, vector<1x16xf32>,
    %get3A_199 = vector.shape_cast %get3A_198 : vector<1x16xf32> to vector<16xf32>
    %add3A_200 = arith.addf %add3A_194, %get3A_199 : vector<16xf32>
    %get3A_201 = arith.constant 2 : i32
    %get3A_202 = arith.index_cast %get3A_201 : i32 to index
    %get3A_203 = arith.constant 64 : index
    %get3A_204 = tpu.vector_load %arg6[%get3A_202, %get3A_203] {strides = array<i32>} : memref<4x128xf32, #tpu.memory_space<vmem>>, vector<1x16xf32>,
    %get3A_205 = vector.shape_cast %get3A_204 : vector<1x16xf32> to vector<16xf32>
    %add3A_206 = arith.addf %add3A_200, %get3A_205 : vector<16xf32>
    %get3A_207 = arith.constant 2 : i32
    %get3A_208 = arith.index_cast %get3A_207 : i32 to index
    %get3A_209 = arith.constant 80 : index
    %get3A_210 = tpu.vector_load %arg6[%get3A_208, %get3A_209] {strides = array<i32>} : memref<4x128xf32, #tpu.memory_space<vmem>>, vector<1x16xf32>,
    %get3A_211 = vector.shape_cast %get3A_210 : vector<1x16xf32> to vector<16xf32>
    %add3A_212 = arith.addf %add3A_206, %get3A_211 : vector<16xf32>
    %get3A_213 = arith.constant 2 : i32
    %get3A_214 = arith.index_cast %get3A_213 : i32 to index
    %get3A_215 = arith.constant 96 : index
    %get3A_216 = tpu.vector_load %arg6[%get3A_214, %get3A_215] {strides = array<i32>} : memref<4x128xf32, #tpu.memory_space<vmem>>, vector<1x16xf32>,
    %get3A_217 = vector.shape_cast %get3A_216 : vector<1x16xf32> to vector<16xf32>
    %add3A_218 = arith.addf %add3A_212, %get3A_217 : vector<16xf32>
    %get3A_219 = arith.constant 2 : i32
    %get3A_220 = arith.index_cast %get3A_219 : i32 to index
    %get3A_221 = arith.constant 112 : index
    %get3A_222 = tpu.vector_load %arg6[%get3A_220, %get3A_221] {strides = array<i32>} : memref<4x128xf32, #tpu.memory_space<vmem>>, vector<1x16xf32>,
    %get3A_223 = vector.shape_cast %get3A_222 : vector<1x16xf32> to vector<16xf32>
    %add3A_224 = arith.addf %add3A_218, %get3A_223 : vector<16xf32>
    %get3A_225 = arith.constant 3 : i32
    %get3A_226 = arith.index_cast %get3A_225 : i32 to index
    %get3A_227 = arith.constant 0 : index
    %get3A_228 = tpu.vector_load %arg6[%get3A_226, %get3A_227] {strides = array<i32>} : memref<4x128xf32, #tpu.memory_space<vmem>>, vector<1x16xf32>,
    %get3A_229 = vector.shape_cast %get3A_228 : vector<1x16xf32> to vector<16xf32>
    %add3A_230 = arith.addf %add3A_224, %get3A_229 : vector<16xf32>
    %get3A_231 = arith.constant 3 : i32
    %get3A_232 = arith.index_cast %get3A_231 : i32 to index
    %get3A_233 = arith.constant 16 : index
    %get3A_234 = tpu.vector_load %arg6[%get3A_232, %get3A_233] {strides = array<i32>} : memref<4x128xf32, #tpu.memory_space<vmem>>, vector<1x16xf32>,
    %get3A_235 = vector.shape_cast %get3A_234 : vector<1x16xf32> to vector<16xf32>
    %add3A_236 = arith.addf %add3A_230, %get3A_235 : vector<16xf32>
    %get3A_237 = arith.constant 3 : i32
    %get3A_238 = arith.index_cast %get3A_237 : i32 to index
    %get3A_239 = arith.constant 32 : index
    %get3A_240 = tpu.vector_load %arg6[%get3A_238, %get3A_239] {strides = array<i32>} : memref<4x128xf32, #tpu.memory_space<vmem>>, vector<1x16xf32>,
    %get3A_241 = vector.shape_cast %get3A_240 : vector<1x16xf32> to vector<16xf32>
    %add3A_242 = arith.addf %add3A_236, %get3A_241 : vector<16xf32>
    %get3A_243 = arith.constant 3 : i32
    %get3A_244 = arith.index_cast %get3A_243 : i32 to index
    %get3A_245 = arith.constant 48 : index
    %get3A_246 = tpu.vector_load %arg6[%get3A_244, %get3A_245] {strides = array<i32>} : memref<4x128xf32, #tpu.memory_space<vmem>>, vector<1x16xf32>,
    %get3A_247 = vector.shape_cast %get3A_246 : vector<1x16xf32> to vector<16xf32>
    %add3A_248 = arith.addf %add3A_242, %get3A_247 : vector<16xf32>
    %get3A_249 = arith.constant 3 : i32
    %get3A_250 = arith.index_cast %get3A_249 : i32 to index
    %get3A_251 = arith.constant 64 : index
    %get3A_252 = tpu.vector_load %arg6[%get3A_250, %get3A_251] {strides = array<i32>} : memref<4x128xf32, #tpu.memory_space<vmem>>, vector<1x16xf32>,
    %get3A_253 = vector.shape_cast %get3A_252 : vector<1x16xf32> to vector<16xf32>
    %add3A_254 = arith.addf %add3A_248, %get3A_253 : vector<16xf32>
    %get3A_255 = arith.constant 3 : i32
    %get3A_256 = arith.index_cast %get3A_255 : i32 to index
    %get3A_257 = arith.constant 80 : index
    %get3A_258 = tpu.vector_load %arg6[%get3A_256, %get3A_257] {strides = array<i32>} : memref<4x128xf32, #tpu.memory_space<vmem>>, vector<1x16xf32>,
    %get3A_259 = vector.shape_cast %get3A_258 : vector<1x16xf32> to vector<16xf32>
    %add3A_260 = arith.addf %add3A_254, %get3A_259 : vector<16xf32>
    %get3A_261 = arith.constant 3 : i32
    %get3A_262 = arith.index_cast %get3A_261 : i32 to index
    %get3A_263 = arith.constant 96 : index
    %get3A_264 = tpu.vector_load %arg6[%get3A_262, %get3A_263] {strides = array<i32>} : memref<4x128xf32, #tpu.memory_space<vmem>>, vector<1x16xf32>,
    %get3A_265 = vector.shape_cast %get3A_264 : vector<1x16xf32> to vector<16xf32>
    %add3A_266 = arith.addf %add3A_260, %get3A_265 : vector<16xf32>
    %get3A_267 = arith.constant 3 : i32
    %get3A_268 = arith.index_cast %get3A_267 : i32 to index
    %get3A_269 = arith.constant 112 : index
    %get3A_270 = tpu.vector_load %arg6[%get3A_268, %get3A_269] {strides = array<i32>} : memref<4x128xf32, #tpu.memory_space<vmem>>, vector<1x16xf32>,
    %get3A_271 = vector.shape_cast %get3A_270 : vector<1x16xf32> to vector<16xf32>
    %add3A_272 = arith.addf %add3A_266, %get3A_271 : vector<16xf32>
    %swap3A = arith.constant 0 : index
    %swap3A_273 = tpu.vector_load %arg7[%swap3A] {strides = array<i32>} : memref<16xf32, #tpu.memory_space<vmem>>, vector<16xf32>,
    %swap3A_274 = vector.shape_cast %swap3A_273 : vector<16xf32> to vector<16xf32>
    %swap3A_275 = vector.shape_cast %add3A_272 : vector<16xf32> to vector<16xf32>
    tpu.vector_store %arg7[%swap3A], %swap3A_275 {strides = array<i32>} : memref<16xf32, #tpu.memory_space<vmem>>, vector<16xf32>,
    "tpu.region"() ({
      %run_scoped3A = tpu.sem_alloc : memref<!tpu.dma_semaphore, #tpu.memory_space<semaphore_mem>>
      %dma_start3A_276 = arith.constant 0 : i32
      %dma_start3A_277 = tpu.memref_slice %arg4[%add3A, %dma_start3A_276] : memref<32x16xf32, #tpu.memory_space<hbm>> -> memref<1x16xf32, #tpu.memory_space<hbm>>
      %dma_start3A_278 = tpu.memref_squeeze %dma_start3A_277 : memref<1x16xf32, #tpu.memory_space<hbm>> -> memref<16xf32, #tpu.memory_space<hbm>>
      %dma_start3A_279 = arith.constant 0 : i32
      %dma_start3A_280 = tpu.memref_slice %arg4[%add3A, %dma_start3A_279] : memref<32x16xf32, #tpu.memory_space<hbm>> -> memref<1x16xf32, #tpu.memory_space<hbm>>
      %dma_start3A_281 = tpu.memref_squeeze %dma_start3A_280 : memref<1x16xf32, #tpu.memory_space<hbm>> -> memref<16xf32, #tpu.memory_space<hbm>>
      tpu.enqueue_dma source(%arg7 : memref<16xf32, #tpu.memory_space<vmem>>) target(%dma_start3A_281 : memref<16xf32, #tpu.memory_space<hbm>>) target_semaphore(%run_scoped3A : memref<!tpu.dma_semaphore, #tpu.memory_space<semaphore_mem>>)
      %dma_wait3A_282 = arith.constant 0 : i32
      %dma_wait3A_283 = tpu.memref_slice %arg4[%add3A, %dma_wait3A_282] : memref<32x16xf32, #tpu.memory_space<hbm>> -> memref<1x16xf32, #tpu.memory_space<hbm>>
      %dma_wait3A_284 = tpu.memref_squeeze %dma_wait3A_283 : memref<1x16xf32, #tpu.memory_space<hbm>> -> memref<16xf32, #tpu.memory_space<hbm>>
      %dma_wait3A_285 = arith.constant 0 : i32
      %dma_wait3A_286 = tpu.memref_slice %arg4[%add3A, %dma_wait3A_285] : memref<32x16xf32, #tpu.memory_space<hbm>> -> memref<1x16xf32, #tpu.memory_space<hbm>>
      %dma_wait3A_287 = tpu.memref_squeeze %dma_wait3A_286 : memref<1x16xf32, #tpu.memory_space<hbm>> -> memref<16xf32, #tpu.memory_space<hbm>>
      tpu.wait_dma2 semaphore(%run_scoped3A : memref<!tpu.dma_semaphore, #tpu.memory_space<semaphore_mem>>) src(%arg7 : memref<16xf32, #tpu.memory_space<vmem>>) dst(%dma_wait3A_287 : memref<16xf32, #tpu.memory_space<hbm>>)
      tpu.yield
    }) : () -> ()
    return
  }
}

module attributes {stable_mosaic.version = 14 : i64} {
  func.func @_tc_body(%arg0: i32, %arg1: memref<100x4096xf32, #tpu.memory_space<vmem>>, %arg2: memref<1x4096xi32, #tpu.memory_space<vmem>>, %arg3: memref<1x100xf32, #tpu.memory_space<vmem>>, %arg4: memref<1x1xf32, #tpu.memory_space<smem>>) attributes {dimension_semantics = [#tpu.dimension_semantics<arbitrary>], iteration_bounds = array<i64: 4>, scalar_prefetch = 0 : i64, scratch_operands = 0 : i64, tpu.core_type = #tpu.core_type<tc>, window_params = [{transform_indices = @transform_0, window_bounds = array<i64: 100, 4096>}, {transform_indices = @transform_1, window_bounds = array<i64: 1, 4096>}, {pipeline_mode = #tpu.pipeline_mode<synchronous>, transform_indices = @transform_2, window_bounds = array<i64: 1, 100>}, {transform_indices = @transform_3, window_bounds = array<i64: 1, 1>}]} {
    %get3A = arith.constant 0 : index
    %get3A_0 = arith.constant 0 : index
    %get3A_1 = vector.load %arg1[%get3A, %get3A_0] : memref<100x4096xf32, #tpu.memory_space<vmem>>, vector<100x4096xf32>
    %get3A_2 = arith.constant 0 : index
    %get3A_3 = arith.constant 0 : index
    %get3A_4 = vector.load %arg2[%get3A_2, %get3A_3] : memref<1x4096xi32, #tpu.memory_space<vmem>>, vector<1x4096xi32>
    %get3A_5 = arith.constant 0 : index
    %get3A_6 = arith.constant 0 : index
    %get3A_7 = vector.load %arg3[%get3A_5, %get3A_6] : memref<1x100xf32, #tpu.memory_space<vmem>>, vector<1x100xf32>
    %iota3A = tpu.iota {dimensions = array<i32: 0>} : vector<100x100xi32>
    %iota3A_8 = tpu.iota {dimensions = array<i32: 1>} : vector<100x100xi32>
    %eq3A = arith.cmpi eq, %iota3A, %iota3A_8 : vector<100x100xi32>
    %broadcast_in_dim3A = vector.shape_cast %get3A_7 : vector<1x100xf32> to vector<1x100xf32>
    %broadcast_in_dim3A_9 = vector.broadcast %broadcast_in_dim3A : vector<1x100xf32> to vector<100x100xf32>
    %jit3A = arith.constant 0.000000e+00 : f32
    %broadcast_in_dim3A_10 = vector.broadcast %jit3A : f32 to vector<100x100xf32>
    %select_n3A = arith.select %eq3A, %broadcast_in_dim3A_9, %broadcast_in_dim3A_10 : vector<100x100xi1>, vector<100x100xf32>
    %reduce_sum3A = arith.constant dense<0.000000e+00> : vector<100xf32>
    %reduce_sum3A_11 = vector.multi_reduction <add>, %select_n3A, %reduce_sum3A [1] : vector<100x100xf32> to vector<100xf32>
    %broadcast_in_dim3A_12 = vector.shape_cast %reduce_sum3A_11 : vector<100xf32> to vector<100x1xf32>
    %iota3A_13 = tpu.iota {dimensions = array<i32: 0>} : vector<100x4096xi32>
    %eq3A_14 = vector.broadcast %get3A_4 : vector<1x4096xi32> to vector<100x4096xi32>
    %eq3A_15 = arith.cmpi eq, %iota3A_13, %eq3A_14 : vector<100x4096xi32>
    %mul3A = arith.constant 3.000000e+01 : f32
    %mul3A_16 = vector.broadcast %mul3A : f32 to vector<100x4096xf32>
    %mul3A_17 = arith.mulf %get3A_1, %mul3A_16 : vector<100x4096xf32>
    %mul3A_18 = arith.constant 3.000000e+01 : f32
    %mul3A_19 = vector.broadcast %mul3A_18 : f32 to vector<100x1xf32>
    %mul3A_20 = arith.mulf %broadcast_in_dim3A_12, %mul3A_19 : vector<100x1xf32>
    %jit3A_21 = arith.constant 0.000000e+00 : f32
    %broadcast_in_dim3A_22 = vector.shape_cast %mul3A_20 : vector<100x1xf32> to vector<100x1xf32>
    %broadcast_in_dim3A_23 = vector.broadcast %broadcast_in_dim3A_22 : vector<100x1xf32> to vector<100x4096xf32>
    %broadcast_in_dim3A_24 = vector.broadcast %jit3A_21 : f32 to vector<100x4096xf32>
    %select_n3A_25 = arith.select %eq3A_15, %broadcast_in_dim3A_23, %broadcast_in_dim3A_24 : vector<100x4096xi1>, vector<100x4096xf32>
    %sub3A = arith.subf %mul3A_17, %select_n3A_25 : vector<100x4096xf32>
    %reduce_max3A = arith.constant dense<0xFF800000> : vector<4096xf32>
    %reduce_max3A_26 = vector.multi_reduction <maximumf>, %sub3A, %reduce_max3A [0] : vector<100x4096xf32> to vector<4096xf32>
    %broadcast_in_dim3A_27 = vector.shape_cast %reduce_max3A_26 : vector<4096xf32> to vector<1x4096xf32>
    %sub3A_28 = vector.broadcast %broadcast_in_dim3A_27 : vector<1x4096xf32> to vector<100x4096xf32>
    %sub3A_29 = arith.subf %sub3A, %sub3A_28 : vector<100x4096xf32>
    %exp3A = math.exp %sub3A_29 : vector<100x4096xf32>
    %reduce_sum3A_30 = arith.constant dense<0.000000e+00> : vector<4096xf32>
    %reduce_sum3A_31 = vector.multi_reduction <add>, %exp3A, %reduce_sum3A_30 [0] : vector<100x4096xf32> to vector<4096xf32>
    %broadcast_in_dim3A_32 = vector.shape_cast %reduce_sum3A_31 : vector<4096xf32> to vector<1x4096xf32>
    %mul3A_33 = arith.constant 3.000000e+01 : f32
    %mul3A_34 = vector.broadcast %mul3A_33 : f32 to vector<100x4096xf32>
    %mul3A_35 = arith.mulf %get3A_1, %mul3A_34 : vector<100x4096xf32>
    %jit3A_36 = arith.constant 0.000000e+00 : f32
    %broadcast_in_dim3A_37 = vector.broadcast %jit3A_36 : f32 to vector<100x4096xf32>
    %select_n3A_38 = arith.select %eq3A_15, %mul3A_35, %broadcast_in_dim3A_37 : vector<100x4096xi1>, vector<100x4096xf32>
    %reduce_sum3A_39 = arith.constant dense<0.000000e+00> : vector<4096xf32>
    %reduce_sum3A_40 = vector.multi_reduction <add>, %select_n3A_38, %reduce_sum3A_39 [0] : vector<100x4096xf32> to vector<4096xf32>
    %broadcast_in_dim3A_41 = vector.shape_cast %reduce_sum3A_40 : vector<4096xf32> to vector<1x4096xf32>
    %log3A = math.log %broadcast_in_dim3A_32 : vector<1x4096xf32>
    %add3A = arith.addf %broadcast_in_dim3A_27, %log3A : vector<1x4096xf32>
    %sub3A_42 = arith.subf %add3A, %broadcast_in_dim3A_41 : vector<1x4096xf32>
    %reduce_sum3A_43 = vector.shape_cast %sub3A_42 : vector<1x4096xf32> to vector<1x1x4096xf32>
    %reduce_sum3A_44 = arith.constant dense<0.000000e+00> : vector<1xf32>
    %reduce_sum3A_45 = vector.multi_reduction <add>, %reduce_sum3A_43, %reduce_sum3A_44 [1, 2] : vector<1x1x4096xf32> to vector<1xf32>
    %reduce_sum3A_46 = vector.shape_cast %reduce_sum3A_45 : vector<1xf32> to vector<1x1x1xf32>
    %reduce_sum3A_47 = vector.extract %reduce_sum3A_46[0, 0, 0] : f32 from vector<1x1x1xf32>
    %eq3A_48 = arith.constant 0 : i32
    %eq3A_49 = arith.cmpi eq, %arg0, %eq3A_48 : i32
    %convert_element_type3A = arith.extui %eq3A_49 : i1 to i32
    %cond3A = arith.constant 0 : i32
    %cond3A_50 = arith.cmpi ne, %convert_element_type3A, %cond3A : i32
    scf.if %cond3A_50 {
      %swap3A_57 = arith.constant 0.000000e+00 : f32
      %swap3A_58 = arith.constant 0 : index
      %swap3A_59 = arith.constant 0 : index
      %swap3A_60 = memref.load %arg4[%swap3A_58, %swap3A_59] : memref<1x1xf32, #tpu.memory_space<smem>>
      memref.store %swap3A_57, %arg4[%swap3A_58, %swap3A_59] : memref<1x1xf32, #tpu.memory_space<smem>>
    } else {
    }
    %get3A_51 = arith.constant 0 : index
    %get3A_52 = arith.constant 0 : index
    %get3A_53 = memref.load %arg4[%get3A_51, %get3A_52] : memref<1x1xf32, #tpu.memory_space<smem>>
    %add3A_54 = arith.addf %get3A_53, %reduce_sum3A_47 : f32
    %swap3A = arith.constant 0 : index
    %swap3A_55 = arith.constant 0 : index
    %swap3A_56 = memref.load %arg4[%swap3A, %swap3A_55] : memref<1x1xf32, #tpu.memory_space<smem>>
    memref.store %add3A_54, %arg4[%swap3A, %swap3A_55] : memref<1x1xf32, #tpu.memory_space<smem>>
    return
  }
  func.func @transform_0(%arg0: i32) -> (i32, i32) {
    %c0_i32 = arith.constant 0 : i32
    %c0_i32_0 = arith.constant 0 : i32
    return %c0_i32, %arg0 : i32, i32
  }
  func.func @transform_1(%arg0: i32) -> (i32, i32) {
    %c0_i32 = arith.constant 0 : i32
    %c0_i32_0 = arith.constant 0 : i32
    return %c0_i32, %arg0 : i32, i32
  }
  func.func @transform_2(%arg0: i32) -> (i32, i32) {
    %c0_i32 = arith.constant 0 : i32
    %c0_i32_0 = arith.constant 0 : i32
    %c0_i32_1 = arith.constant 0 : i32
    return %c0_i32, %c0_i32_0 : i32, i32
  }
  func.func @transform_3(%arg0: i32) -> (i32, i32) {
    %c0_i32 = arith.constant 0 : i32
    %c0_i32_0 = arith.constant 0 : i32
    %c0_i32_1 = arith.constant 0 : i32
    return %c0_i32, %c0_i32_0 : i32, i32
  }
}

</mosaic_0001>

<sc_bundles>
// kernel: kernel.4.cloned.1.call-start
scs
__scs_entry_jumppad:
0x0: {  	(pc) =	sbr.rel $0x88, $3  }
0x1: {  	(tag) =	ssettag $0x0;
	lr =	simm.s32 $0x1  }
0x2: {  	[smem:$0x3F9E] =	sst lr;
	_ =	strace $0xD0000000  }
0x3: {  	_ = 	snop  }
0x4: {  	_ = 	snop  }
0x5: {  	_ = 	snop  }
0x6: {  	_ = 	snop  }
0x7: {  	_ = 	snop  }
__scs_overlays_trampoline_lowered:
0x8: {  	[smem:$0x3FAD] =	sst s0  }
0x9: {  	[smem:$0x3FAE] =	sst s1  }
0xa: {  	[smem:$0x3FAF] =	sst s2  }
0xb: {  	[smem:$0x3FB0] =	sst s3  }
0xc: {  	[smem:$0x3FB1] =	sst s4  }
0xd: {  	[smem:$0x3FB2] =	sst s5  }
0xe: {  	[smem:$0x3FB3] =	sst s6  }
0xf: {  	[smem:$0x3FB4] =	sst s7  }
0x10: {  	[smem:$0x3FB5] =	sst s8  }
0x11: {  	[smem:$0x3FB6] =	sst s9;
	s0 =	simm.s32 @!p0 $0x0  }
0x12: {  	s1 =	sld [smem:$0x3F9C];
	s0 =	simm.s32 @p0 $0x1  }
0x13: {  	[smem:$0x3FB7] =	sst s0;
	s0 =	simm.s32 @!p1 $0x0  }
0x14: {  	s2 =	sld [smem:$0x3F9B];
	s0 =	simm.s32 @p1 $0x1  }
0x15: {  	[smem:$0x3FB8] =	sst s0;
	s0 =	simm.s32 @!p2 $0x0  }
0x16: {  	s3 =	sld [smem:$0x3FDB];
	s0 =	simm.s32 @p2 $0x1  }
0x17: {  	s4 =	simm.s32 $0x1BF5;
	[smem:$0x3FBA] =	sst s0  }
0x18: {  	s0 =	sld [smem:$0x3F9D];
	_ =	swait.ge [sflag:s4], $0x0  }
0x19: {  	s7 =	sld [smem:$0x3F9E]  }
0x1a: {  	s8 =	sadd.s32 $0xFFFFE003, lr  }
0x1b: {  	s9 =	sadd.s32 $0xFFFFFEF7, lr;
	s5 =	simm.s32 $0xFFFFFFFF;
	p2 =	slt.u32 s8, $0xFFFFF086  }
0x1c: {  	p1 =	slt.u32 s9, $0xF7A;
	s5 =	simm.s32 @!p2 $0x0  }
0x1d: {  	s5 =	simm.s32 @p1 $0x1;
	p0 =	seq.s32 s7, s2  }
0x1e: {  	s7 =	smul.u32 @!p0 $0xF7A, s2;
	p2 =	seq.s32 @!p0 s5, $0x0  }
0x1f: {  	s9 =	smul.u32 $0xF7A, s1;
	s8 =	simm.s32 @!p0 $0x1BF5;
	p2 =	por !p2, p0  }
0x20: {  	[sflag:s8] =	ssyncset.s32 @!p0 $0xFFFFF086;
	s6 =	sadd.s32 @!p0 s3, s7;
	s7 =	simm.s32 @!p0 $0x108  }
0x21: {  	s3 =	sadd.s32 s3, s9;
	s6 =	sadd.s32 @!p0 $0x88, s6;
	s7 =	simm.s32 @p2 $0x1082  }
0x22: {  	[simem:s7], [sflag:s8] =	dma.local @!p0 [hbm:s6], $0xF7A  }
0x23: {  	s9 =	sor.u32 $0xD0000000, s2;
	s6 =	simm.s32 $0x108;
	_ =	swait.ge @!p0 [sflag:s8], $0x0  }
0x24: {  	s3 =	sadd.s32 $0x88, s3;
	s6 =	simm.s32 @!p1 $0x1082;
	[sflag:s4] =	ssyncset.s32 $0xFFFFF086  }
0x25: {  	[simem:s6], [sflag:s4] =	dma.local [hbm:s3], $0xF7A  }
0x26: {  	[smem:$0x3F9E] =	sst s1;
	(tag) =	ssettag s2;
	_ =	strace s9  }
0x27: {  	s1 =	sld [smem:$0x3FAE]  }
0x28: {  	s2 =	sld [smem:$0x3FAF]  }
0x29: {  	s4 =	sld [smem:$0x3FB1]  }
0x2a: {  	p0 =	seq.s32 s5, $0x0;
	s5 =	sld [smem:$0x3FB2]  }
0x2b: {  	s6 =	sld [smem:$0x3FB3]  }
0x2c: {  	s7 =	sld [smem:$0x3FB4]  }
0x2d: {  	s3 =	simm.s32 $0x108;
	s8 =	sld [smem:$0x3FB5]  }
0x2e: {  	s3 =	simm.s32 @!p0 $0x1082;
	s9 =	sld [smem:$0x3FB6]  }
0x2f: {  	lr =	sadd.s32 s0, s3;
	s0 =	sld [smem:$0x3FAD]  }
0x30: {  	s3 =	sld [smem:$0x3FB0]  }
0x31: {  	[smem:$0x3FB9] =	sst s10  }
0x32: {  	s10 =	sld [smem:$0x3FB7];
	_ =	sdelay $0x3  }
0x33: {  	p0 =	seq.s32 s10, $0x1;
	s10 =	sld [smem:$0x3FB9];
	_ =	sdelay $0x3  }
0x34: {  	[smem:$0x3FB9] =	sst s10  }
0x35: {  	s10 =	sld [smem:$0x3FB8];
	_ =	sdelay $0x3  }
0x36: {  	p1 =	seq.s32 s10, $0x1;
	s10 =	sld [smem:$0x3FB9];
	_ =	sdelay $0x3  }
0x37: {  	[smem:$0x3FB9] =	sst s10  }
0x38: {  	s10 =	sld [smem:$0x3FBA]  }
0x39: {  	_ = 	snop;
	(pc) =	sbr.ind lr, $3  }
0x3a: {  	_ = 	snop  }
0x3b: {  	_ = 	snop  }
0x3c: {  	p2 =	seq.s32 s10, $0x1;
	s10 =	sld [smem:$0x3FB9]  }
0x3d: {  	_ =	shalt  }
0x3e: {  	_ =	shalt  }
0x3f: {  	_ =	shalt  }
0x40: {  	_ =	shalt  }
0x41: {  	_ =	shalt  }
0x42: {  	_ =	shalt  }
0x43: {  	_ =	shalt  }
0x44: {  	_ =	shalt  }
0x45: {  	_ =	shalt  }
0x46: {  	_ =	shalt  }
0x47: {  	_ =	shalt  }
0x48: {  	_ =	shalt  }
0x49: {  	_ =	shalt  }
0x4a: {  	_ =	shalt  }
0x4b: {  	_ =	shalt  }
0x4c: {  	_ =	shalt  }
0x4d: {  	_ =	shalt  }
0x4e: {  	_ =	shalt  }
0x4f: {  	_ =	shalt  }
0x50: {  	_ =	shalt  }
0x51: {  	_ =	shalt  }
0x52: {  	_ =	shalt  }
0x53: {  	_ =	shalt  }
0x54: {  	_ =	shalt  }
0x55: {  	_ =	shalt  }
0x56: {  	_ =	shalt  }
0x57: {  	_ =	shalt  }
0x58: {  	_ =	shalt  }
0x59: {  	_ =	shalt  }
0x5a: {  	_ =	shalt  }
0x5b: {  	_ =	shalt  }
0x5c: {  	_ =	shalt  }
0x5d: {  	_ =	shalt  }
0x5e: {  	_ =	shalt  }
0x5f: {  	_ =	shalt  }
0x60: {  	_ =	shalt  }
0x61: {  	_ =	shalt  }
0x62: {  	_ =	shalt  }
0x63: {  	_ =	shalt  }
0x64: {  	_ =	shalt  }
0x65: {  	_ =	shalt  }
0x66: {  	_ =	shalt  }
0x67: {  	_ =	shalt  }
0x68: {  	_ =	shalt  }
0x69: {  	_ =	shalt  }
0x6a: {  	_ =	shalt  }
0x6b: {  	_ =	shalt  }
0x6c: {  	_ =	shalt  }
0x6d: {  	_ =	shalt  }
0x6e: {  	_ =	shalt  }
0x6f: {  	_ =	shalt  }
0x70: {  	_ =	shalt  }
0x71: {  	_ =	shalt  }
0x72: {  	_ =	shalt  }
0x73: {  	_ =	shalt  }
0x74: {  	_ =	shalt  }
0x75: {  	_ =	shalt  }
0x76: {  	_ =	shalt  }
0x77: {  	_ =	shalt  }
0x78: {  	_ =	shalt  }
0x79: {  	_ =	shalt  }
0x7a: {  	_ =	shalt  }
0x7b: {  	_ =	shalt  }
0x7c: {  	_ =	shalt  }
0x7d: {  	_ =	shalt  }
0x7e: {  	_ =	shalt  }
0x7f: {  	_ =	shalt  }
0x80: {  	_ =	shalt  }
0x81: {  	_ =	shalt  }
0x82: {  	_ =	shalt  }
0x83: {  	_ =	shalt  }
0x84: {  	_ =	shalt  }
0x85: {  	_ =	shalt  }
0x86: {  	_ =	shalt  }
0x87: {  	_ =	shalt  }
.Lfunc_end0:
.L_simem_size_0:
called_computation_lowered:
.L_overlay_start_0:
0x88: {  	s2 =	sld [smem:$0x3FD9]  }
0x89: {  	s3 =	sld [smem:$0x3FFE];
	_ =	sdelay $0x1  }
0x8a: {  	s1 =	srdreg.scid  }
0x8b: {  	s0 =	sand.u32 $0x1, s1  }
0x8c: {  	s17 =	sshll.u32 s0, $0xA;
	s2 =	sadd.s32 s3, s2  }
0x8d: {  	s2 =	sadd.s32 s2, s17  }
0x8e: {  	[smem:$0x3FC5] =	sst s2  }
0x8f: {  	_ = 	snop  }
0x90: {  	s2 =	sld [smem:$0x3FC8]  }
0x91: {  	s18 =	sld [smem:$0x3FC7];
	(tm) =	ssettm $0x1  }
0x92: {  	s4 =	sld [smem:$0x3FFB];
	_ =	sdelay $0x3  }
0x93: {  	_ =	strace s4  }
0x94: {  	s4 =	sld [smem:$0x3FFC];
	_ =	sdelay $0x3  }
0x95: {  	_ =	strace s4  }
0x96: {  	s4 =	sld [smem:$0x3FFD];
	_ =	sdelay $0x3  }
0x97: {  	_ =	strace s4  }
0x98: {  	_ =	strace $0x8FFFFFFF  }
0x99: {  	s19 =	sld [smem:$0x3FDB];
	_ =	sdelay $0x1  }
0x9a: {  	s5 =	simm.s32 $_scs_section_size  }
0x9b: {  	s6 =	simm.s32 $_size__tile_overlayer_lowered;
	s7 =	simm.s32 $_tile_overlayer_lowered  }
0x9c: {  	s22 =	simm.s32 $0x1BFF;
	s21 =	sshll.u32 s7, $0x1;
	s4 =	sadd.s32 s5, s19  }
0x9d: {  	s8 =	simm.s32 $0x0;
	s20 =	sshll.u32 s6, $0x1;
	s6 =	sadd.s32 s21, s4  }
0x9e: {  	[timem:s8], [sflag:s22] =	dma.local [hbm:s6], s20  }
0x9f: {  	_ =	swait.ge [sflag:s22], s20  }
0xa0: {  	s5 =	ssub.s32 $0x0, s20;
	[sflag:s22] =	ssyncset.done $0x0  }
0xa1: {  	[sflag:s22] =	ssyncadd.s32 s5;
	_ =	sdelay $0x1  }
0xa2: {  	s23 =	simm.s32 $0x1B8B  }
0xa3: {  	_ =	swait.ge [sflag:s23], $0x1  }
0xa4: {  	[sflag:s23] =	ssyncset.done $0x0  }
0xa5: {  	s25 =	simm.s32 $0x1B8E;
	s24 =	sld [smem:$0x3FFE];
	[sflag:s23] =	ssyncadd.s32 $0xFFFFFFFF  }
0xa6: {  	s26 =	simm.s32 $execute0_lowered;
	[smem:$0x3FD2] =	sst s25  }
0xa7: {  	s6 =	sshll.u32 s26, $0x1;
	_ =	strace $0x80000046;
	[dreg:$0x1] =	wrdreg $0xFFFFFFFF  }
0xa8: {  	s28 =	simm.s32 $_size_execute0_lowered;
	s4 =	sadd.s32 s4, s6;
	[dreg:$0x0] =	wrdreg $0x0  }
0xa9: {  	s6 =	sshll.u32 s28, $0x1;
	[dreg:$0x2] =	wrdreg s4  }
0xaa: {  	[dreg:$0x3] =	wrdreg s6  }
0xab: {  	[dreg:$0x4] =	wrdreg $0xC0  }
0xac: {  	_ =	task [dreg:s8], $0x5FFFF  }
0xad: {  	[dreg:$0x1] =	wrdreg $0xFFFFFFFF  }
0xae: {  	[dreg:$0x0] =	wrdreg $0x60  }
0xaf: {  	[dreg:$0x2] =	wrdreg s2  }
0xb0: {  	[dreg:$0x3] =	wrdreg s18  }
0xb1: {  	[dreg:$0x4] =	wrdreg s24  }
0xb2: {  	[dreg:$0x5] =	wrdreg $0x9  }
0xb3: {  	_ =	task.clear_ibuf [dreg:s8], $0x6FFFF;
	_ =	strace $0x90000046  }
0xb4: {  	s29 =	simm.s32 $0x9;
	_ =	strace $0x80000048  }
0xb5: {  	_ =	swait.ge [sflag:s29], $0x1  }
0xb6: {  	[sflag:s29] =	ssyncadd.s32 $0xFFFFFFFF  }
0xb7: {  	_ =	strace $0x90000048  }
0xb8: {  	_ =	sfence  }
0xb9: {  	s30 =	sld [smem:$0x0];
	_ =	sdelay $0x2  }
0xba: {  	s31 =	sshll.u32 s1, $0xD;
	s1 =	sshrl.u32 s1, $0x2  }
0xbb: {  	s3 =	sand.u32 $0x4000, s31;
	s1 =	sadd.s32 s1, s30  }
0xbc: {  	s0 =	sor.u32 s3, s0;
	s1 =	sshll.u32 s1, $0x11  }
0xbd: {  	s0 =	sor.u32 s1, s0  }
0xbe: {  	s0 =	sadd.s32 $0x8F2B, s0  }
0xbf: {  	[sflag:s0] =	ssyncadd.remote.s32 $0x1  }
0xc0: {  	_ =	sfence.sel $0xFFFF  }
0xc1: {  	[dreg:$0x0] =	wrdreg $0xFFFFFFFF;
	(pc) =	sbr.abs _section_cstart, $3  }
0xc2: {  	[dreg:$0x1] =	wrdreg $0xFFFFFFFF  }
0xc3: {  	_ =	task.clear_ibuf [dreg:s8], $0x2FFFF;
	_ =	strace $0x9FFFFFFF  }
0xc4: {  	(tm) =	ssettm $0x7FFFFFFF  }
0xc5: {  	_ =	shalt  }
tec
execute0_lowered:
.L_overlay_start_1:
0x0: {  	(tag) =	ssettag $0x1  }
0x1: {  	s4 =	rddreg [dreg:$0x0]  }
0x2: {  	s1 =	rddreg [dreg:$0x1]  }
0x3: {  	s14 =	rddreg [dreg:$0x2];
	s2 =	srdreg.scid  }
0x4: {  	s0 =	rddreg [dreg:$0x3];
	s15 =	sand.u32 $0x1, s2  }
0x5: {  	s3 =	simm.s32 $0x0;
	s2 =	stileid.u32;
	s5 =	sshll.u32 s15, $0x6  }
0x6: {  	[smem:$0x7FF] =	sst s3;
	s6 =	sshll.u32 s2, $0x7;
	s4 =	sadd.s32 s4, s5  }
0x7: {  	_ =	strace $0x80000047;
	s5 =	sadd.s32 s6, s4;
	s4 =	simm.s32 $0x2  }
0x8: {  	[tilespmem:s3], [sflag:$0x2] =	stream.linear.gather [hbm4b:s5+s3], $0x200, $0x38;
	[tilespmem:$0x480] =	vst v63  }
0x9: {  	_ =	swait.ge [sflag:s4], $0x200  }
0xa: {  	[sflag:s4] =	ssyncset.done $0x0  }
0xb: {  	s7 =	simm.s32 $0x200;
	s6 =	simm.s32 $0x80;
	[sflag:s4] =	ssyncadd.s32 $0xFFFFFE00  }
0xc: {  	[tilespmem:s7], [sflag:$0x1] =	stream.indirect.gather [hbm4b:s1+s6], $0x1, s3, s6, $0xb8;
	[tilespmem:$0x480] =	vst v63  }
0xd: {  	s8 =	simm.s32 $0x280  }
0xe: {  	[tilespmem:s8], [sflag:$0x1] =	stream.indirect.gather [hbm4b:s1+s6], $0x1, s6, s6, $0xb8;
	[tilespmem:$0x480] =	vst v63  }
0xf: {  	s9 =	simm.s32 $0x100;
	s10 =	simm.s32 $0x300  }
0x10: {  	[tilespmem:s10], [sflag:$0x1] =	stream.indirect.gather [hbm4b:s1+s6], $0x1, s9, s6, $0xb8;
	[tilespmem:$0x480] =	vst v63  }
0x11: {  	s11 =	simm.s32 $0x180;
	s12 =	simm.s32 $0x380;
	s13 =	simm.s32 $0x1  }
0x12: {  	[tilespmem:s12], [sflag:$0x1] =	stream.indirect.gather [hbm4b:s1+s6], $0x1, s11, s6, $0xb8;
	[tilespmem:$0x480] =	vst v63  }
0x13: {  	_ =	swait.ge [sflag:s13], $0x80  }
0x14: {  	[sflag:s13] =	ssyncset.done $0x0  }
0x15: {  	[sflag:s13] =	ssyncadd.s32 $0xFFFFFF80  }
0x16: {  	_ =	swait.ge [sflag:s13], $0x80  }
0x17: {  	[sflag:s13] =	ssyncset.done $0x0  }
0x18: {  	[sflag:s13] =	ssyncadd.s32 $0xFFFFFF80  }
0x19: {  	_ =	swait.ge [sflag:s13], $0x80  }
0x1a: {  	[sflag:s13] =	ssyncset.done $0x0  }
0x1b: {  	[sflag:s13] =	ssyncadd.s32 $0xFFFFFF80  }
0x1c: {  	_ =	swait.ge [sflag:s13], $0x80  }
0x1d: {  	[sflag:s13] =	ssyncset.done $0x0  }
0x1e: {  	[sflag:s13] =	ssyncadd.s32 $0xFFFFFF80  }
0x1f: {  	v0 =	vld [tilespmem:$0x200];
	_ =	sdelay $0x1  }
0x20: {  	v1 =	vld [tilespmem:$0x210];
	_ =	sdelay $0x1  }
0x21: {  	v2 =	vld [tilespmem:$0x220]  }
0x22: {  	v0 =	vadd.f32 $0.0e+00, v0  }
0x23: {  	v3 =	vld [tilespmem:$0x230]  }
0x24: {  	v0 =	vadd.f32 v1, v0  }
0x25: {  	v36 =	vld [tilespmem:$0x240]  }
0x26: {  	v0 =	vadd.f32 v2, v0  }
0x27: {  	v37 =	vld [tilespmem:$0x250]  }
0x28: {  	v0 =	vadd.f32 v3, v0  }
0x29: {  	v38 =	vld [tilespmem:$0x260]  }
0x2a: {  	v0 =	vadd.f32 v36, v0  }
0x2b: {  	v39 =	vld [tilespmem:$0x270]  }
0x2c: {  	v0 =	vadd.f32 v37, v0  }
0x2d: {  	v40 =	vld [tilespmem:$0x280]  }
0x2e: {  	v0 =	vadd.f32 v38, v0  }
0x2f: {  	v41 =	vld [tilespmem:$0x290]  }
0x30: {  	v0 =	vadd.f32 v39, v0  }
0x31: {  	v42 =	vld [tilespmem:$0x2A0]  }
0x32: {  	v0 =	vadd.f32 v40, v0  }
0x33: {  	v43 =	vld [tilespmem:$0x2B0]  }
0x34: {  	v0 =	vadd.f32 v41, v0  }
0x35: {  	v44 =	vld [tilespmem:$0x2C0]  }
0x36: {  	v0 =	vadd.f32 v42, v0  }
0x37: {  	v45 =	vld [tilespmem:$0x2D0]  }
0x38: {  	v0 =	vadd.f32 v43, v0  }
0x39: {  	v46 =	vld [tilespmem:$0x2E0]  }
0x3a: {  	v0 =	vadd.f32 v44, v0  }
0x3b: {  	v47 =	vld [tilespmem:$0x2F0]  }
0x3c: {  	v0 =	vadd.f32 v45, v0  }
0x3d: {  	v48 =	vld [tilespmem:$0x300]  }
0x3e: {  	v0 =	vadd.f32 v46, v0  }
0x3f: {  	v49 =	vld [tilespmem:$0x310]  }
0x40: {  	v0 =	vadd.f32 v47, v0  }
0x41: {  	v50 =	vld [tilespmem:$0x320]  }
0x42: {  	v0 =	vadd.f32 v48, v0  }
0x43: {  	v51 =	vld [tilespmem:$0x330]  }
0x44: {  	v0 =	vadd.f32 v49, v0  }
0x45: {  	v52 =	vld [tilespmem:$0x340]  }
0x46: {  	v0 =	vadd.f32 v50, v0  }
0x47: {  	v53 =	vld [tilespmem:$0x350]  }
0x48: {  	v0 =	vadd.f32 v51, v0  }
0x49: {  	v54 =	vld [tilespmem:$0x360]  }
0x4a: {  	v0 =	vadd.f32 v52, v0  }
0x4b: {  	v55 =	vld [tilespmem:$0x370]  }
0x4c: {  	v0 =	vadd.f32 v53, v0  }
0x4d: {  	v56 =	vld [tilespmem:$0x380]  }
0x4e: {  	v0 =	vadd.f32 v54, v0  }
0x4f: {  	v57 =	vld [tilespmem:$0x390]  }
0x50: {  	v0 =	vadd.f32 v55, v0  }
0x51: {  	v58 =	vld [tilespmem:$0x3A0]  }
0x52: {  	v0 =	vadd.f32 v56, v0  }
0x53: {  	v59 =	vld [tilespmem:$0x3B0]  }
0x54: {  	v0 =	vadd.f32 v57, v0  }
0x55: {  	v60 =	vld [tilespmem:$0x3C0]  }
0x56: {  	v0 =	vadd.f32 v58, v0  }
0x57: {  	v61 =	vld [tilespmem:$0x3D0]  }
0x58: {  	v0 =	vadd.f32 v59, v0  }
0x59: {  	v62 =	vld [tilespmem:$0x3E0]  }
0x5a: {  	v0 =	vadd.f32 v60, v0  }
0x5b: {  	v63 =	vld [tilespmem:$0x3F0]  }
0x5c: {  	s16 =	sshll.u32 s15, $0x4;
	s15 =	ssub.s32 $0x2, s15;
	v0 =	vadd.f32 v61, v0  }
0x5d: {  	s31 =	sshrl.u32 s15, $0x1  }
0x5e: {  	s15 =	ssub.s32 s15, s31;
	v0 =	vadd.f32 v62, v0  }
0x5f: {  	s14 =	sadd.s32 s16, s14;
	s16 =	smax.u32 s15, $0x1  }
0x60: {  	s17 =	sshll.u32 s2, $0x5;
	p0 =	sne.s32 s16, $0x1;
	v0 =	vadd.f32 v63, v0  }
.Ltmp0:
0x61: {  	s14 =	sadd.s32 s17, s14;
	(pc) =	sbr.rel @!p0 .LBB2_2-.Ltmp0, $4  }
0x62: {  	s14 =	sadd.s32 $0x600, s14;
	s15 =	simm.s32 $0x400;
	[tilespmem:$0x400] =	vst v0  }
0x63: {  	[hbm4b:s14+s3] =	stream.linear.scatter [tilespmem:s15], [sflag:$0x2], $0x80, $0x38;
	[tilespmem:$0x480] =	vst v63  }
0x64: {  	_ =	swait.ge [sflag:s4], $0x80  }
0x65: {  	s16 =	sadd.s32 $0xFFFFFFFF, s16;
	[sflag:s4] =	ssyncset.done $0x0  }
.LBB2_1:
0x66: {  	p0 =	sne.s32 s16, $0x1;
	s16 =	sadd.s32 $0xFFFFFFFF, s16;
	[sflag:s4] =	ssyncadd.s32 $0xFFFFFF80  }
0x67: {  	[tilespmem:s3], [sflag:$0x2] =	stream.linear.gather [hbm4b:s5+s3], $0x200, $0x38;
	[tilespmem:$0x480] =	vst v63  }
0x68: {  	_ =	swait.ge [sflag:s4], $0x200  }
0x69: {  	[sflag:s4] =	ssyncset.done $0x0  }
0x6a: {  	[sflag:s4] =	ssyncadd.s32 $0xFFFFFE00  }
0x6b: {  	[tilespmem:s7], [sflag:$0x1] =	stream.indirect.gather [hbm4b:s1+s6], $0x1, s3, s6, $0xb8;
	[tilespmem:$0x480] =	vst v63  }
0x6c: {  	_ = 	snop  }
0x6d: {  	[tilespmem:s8], [sflag:$0x1] =	stream.indirect.gather [hbm4b:s1+s6], $0x1, s6, s6, $0xb8;
	[tilespmem:$0x480] =	vst v63  }
0x6e: {  	_ = 	snop  }
0x6f: {  	[tilespmem:s10], [sflag:$0x1] =	stream.indirect.gather [hbm4b:s1+s6], $0x1, s9, s6, $0xb8;
	[tilespmem:$0x480] =	vst v63  }
0x70: {  	_ = 	snop  }
0x71: {  	[tilespmem:s12], [sflag:$0x1] =	stream.indirect.gather [hbm4b:s1+s6], $0x1, s11, s6, $0xb8;
	[tilespmem:$0x480] =	vst v63  }
0x72: {  	_ =	swait.ge [sflag:s13], $0x80  }
0x73: {  	[sflag:s13] =	ssyncset.done $0x0  }
0x74: {  	[sflag:s13] =	ssyncadd.s32 $0xFFFFFF80  }
0x75: {  	_ =	swait.ge [sflag:s13], $0x80  }
0x76: {  	[sflag:s13] =	ssyncset.done $0x0  }
0x77: {  	[sflag:s13] =	ssyncadd.s32 $0xFFFFFF80  }
0x78: {  	_ =	swait.ge [sflag:s13], $0x80  }
0x79: {  	[sflag:s13] =	ssyncset.done $0x0  }
0x7a: {  	[sflag:s13] =	ssyncadd.s32 $0xFFFFFF80  }
0x7b: {  	_ =	swait.ge [sflag:s13], $0x80  }
0x7c: {  	[sflag:s13] =	ssyncset.done $0x0  }
0x7d: {  	[sflag:s13] =	ssyncadd.s32 $0xFFFFFF80  }
0x7e: {  	v0 =	vld [tilespmem:$0x200];
	_ =	sdelay $0x1  }
0x7f: {  	v1 =	vld [tilespmem:$0x210];
	_ =	sdelay $0x1  }
0x80: {  	v2 =	vld [tilespmem:$0x220]  }
0x81: {  	v0 =	vadd.f32 $0.0e+00, v0  }
0x82: {  	v3 =	vld [tilespmem:$0x230]  }
0x83: {  	v0 =	vadd.f32 v1, v0  }
0x84: {  	v1 =	vld [tilespmem:$0x240]  }
0x85: {  	v0 =	vadd.f32 v2, v0  }
0x86: {  	v2 =	vld [tilespmem:$0x250]  }
0x87: {  	v0 =	vadd.f32 v3, v0  }
0x88: {  	v3 =	vld [tilespmem:$0x260]  }
0x89: {  	v0 =	vadd.f32 v1, v0  }
0x8a: {  	v1 =	vld [tilespmem:$0x270]  }
0x8b: {  	v0 =	vadd.f32 v2, v0  }
0x8c: {  	v2 =	vld [tilespmem:$0x280]  }
0x8d: {  	v0 =	vadd.f32 v3, v0  }
0x8e: {  	v3 =	vld [tilespmem:$0x290]  }
0x8f: {  	v0 =	vadd.f32 v1, v0  }
0x90: {  	v1 =	vld [tilespmem:$0x2A0]  }
0x91: {  	v0 =	vadd.f32 v2, v0  }
0x92: {  	v2 =	vld [tilespmem:$0x2B0]  }
0x93: {  	v0 =	vadd.f32 v3, v0  }
0x94: {  	v3 =	vld [tilespmem:$0x2C0]  }
0x95: {  	v0 =	vadd.f32 v1, v0  }
0x96: {  	v1 =	vld [tilespmem:$0x2D0]  }
0x97: {  	v0 =	vadd.f32 v2, v0  }
0x98: {  	v2 =	vld [tilespmem:$0x2E0]  }
0x99: {  	v0 =	vadd.f32 v3, v0  }
0x9a: {  	v3 =	vld [tilespmem:$0x2F0]  }
0x9b: {  	v0 =	vadd.f32 v1, v0  }
0x9c: {  	v1 =	vld [tilespmem:$0x300]  }
0x9d: {  	v0 =	vadd.f32 v2, v0  }
0x9e: {  	v2 =	vld [tilespmem:$0x310]  }
0x9f: {  	v0 =	vadd.f32 v3, v0  }
0xa0: {  	v3 =	vld [tilespmem:$0x320]  }
0xa1: {  	v0 =	vadd.f32 v1, v0  }
0xa2: {  	v1 =	vld [tilespmem:$0x330]  }
0xa3: {  	v0 =	vadd.f32 v2, v0  }
0xa4: {  	v2 =	vld [tilespmem:$0x340]  }
0xa5: {  	v0 =	vadd.f32 v3, v0  }
0xa6: {  	v3 =	vld [tilespmem:$0x350]  }
0xa7: {  	v0 =	vadd.f32 v1, v0  }
0xa8: {  	v1 =	vld [tilespmem:$0x360]  }
0xa9: {  	v0 =	vadd.f32 v2, v0  }
0xaa: {  	v2 =	vld [tilespmem:$0x370]  }
0xab: {  	v0 =	vadd.f32 v3, v0  }
0xac: {  	v3 =	vld [tilespmem:$0x380]  }
0xad: {  	v0 =	vadd.f32 v1, v0  }
0xae: {  	v1 =	vld [tilespmem:$0x390]  }
0xaf: {  	v0 =	vadd.f32 v2, v0  }
0xb0: {  	v2 =	vld [tilespmem:$0x3A0]  }
0xb1: {  	v0 =	vadd.f32 v3, v0  }
0xb2: {  	v3 =	vld [tilespmem:$0x3B0]  }
0xb3: {  	v0 =	vadd.f32 v1, v0  }
0xb4: {  	v1 =	vld [tilespmem:$0x3C0]  }
0xb5: {  	v0 =	vadd.f32 v2, v0  }
0xb6: {  	v2 =	vld [tilespmem:$0x3D0]  }
0xb7: {  	v0 =	vadd.f32 v3, v0  }
0xb8: {  	v3 =	vld [tilespmem:$0x3E0]  }
0xb9: {  	v0 =	vadd.f32 v1, v0  }
0xba: {  	v1 =	vld [tilespmem:$0x3F0]  }
0xbb: {  	v0 =	vadd.f32 v2, v0;
	_ =	sdelay $0x1  }
0xbc: {  	v0 =	vadd.f32 v3, v0;
	_ =	sdelay $0x1  }
0xbd: {  	v0 =	vadd.f32 v1, v0  }
.Ltmp1:
0xbe: {  	(pc) =	sbr.rel @p0 .LBB2_1-.Ltmp1, $4  }
0xbf: {  	[tilespmem:$0x400] =	vst v0  }
0xc0: {  	[hbm4b:s14+s3] =	stream.linear.scatter [tilespmem:s15], [sflag:$0x2], $0x80, $0x38;
	[tilespmem:$0x480] =	vst v63  }
0xc1: {  	_ =	swait.ge [sflag:s4], $0x80  }
0xc2: {  	[sflag:s4] =	ssyncset.done $0x0  }
.LBB2_2:
0xc3: {  	[sflag:s4] =	ssyncadd.s32 $0xFFFFFF80  }
0xc4: {  	_ =	sfence.sel $0x180000  }
0xc5: {  	[bflag:$0x0] =	sbarrier.arrive $0xFFFF  }
0xc6: {  	p0 =	sne.s32 s2, $0x0;
	_ =	strace $0x90000047  }
0xc7: {  	s0 =	sadd.s32 @!p0 $0x100000, s0;
	[bflag:$0x2] =	sbarrier.arrive $0xFFFF  }
0xc8: {  	[sflag:s0] =	ssyncadd.tile.s32 @!p0 $0x1;
	_ =	shalt  }
.Lfunc_end2:
_tile_overlayer_lowered:
.L_overlay_start_2:
0xc9: {  	(tag) =	ssettag $0x2  }
0xca: {  	s0 =	rddreg [dreg:$0x0];
	s2 =	stileid.u32  }
0xcb: {  	s1 =	rddreg [dreg:$0x1];
	p0 =	sne.s32 s2, $0x0  }
0xcc: {  	s3 =	rddreg [dreg:$0x2];
	[bflag:$0x3] =	sbarrier.arrive $0xFFFF;
	s2 =	simm.s32 @!p0 $0x1C02  }
0xcd: {  	[timem:s3], [sflag:s2] =	dma.local @!p0 [hbm:s0], s1  }
0xce: {  	s0 =	simm.s32 @!p0 $0x2  }
0xcf: {  	_ =	swait.ge @!p0 [sflag:s0], s1  }
0xd0: {  	s1 =	ssub.s32 @!p0 $0x0, s1;
	[sflag:s0] =	ssyncset.done @!p0 $0x0  }
0xd1: {  	[sflag:s0] =	ssyncadd.s32 @!p0 s1  }
0xd2: {  	[bflag:$0x3] =	sbarrier.arrive $0xFFFF  }
0xd3: {  	_ =	shalt  }

</sc_bundles>
